<compile_context>
chip_gen: v7x
topology: tpu7x:2x2x1
jax: 0.10.2.dev20260603
libtpu: 0.0.44.dev20260713+nightly
codegen_flags: <defaults>
</compile_context>

<pallas_src>
import functools

import jax
import jax.numpy as jnp
from jax import lax
from jax.experimental import pallas as pl
from jax.experimental.pallas import tpu as pltpu
from jax.experimental.pallas import tpu_sc as plsc

N_CENTERS = 512
BLOCK_M = 4096


def _fused_kernel(psi_ref, c_ref, logits_ref, assign_ref):
    psi = psi_ref[...]
    norms_sq = jnp.sum(psi * psi, axis=1, keepdims=True)
    norms = jnp.maximum(jnp.sqrt(norms_sq), 1e-12)
    inv = 1.0 / norms
    q_sq = (norms_sq * inv) * inv
    psi2 = psi * (inv + inv)

    c = c_ref[...]
    c_sq = jnp.sum(c * c, axis=1, keepdims=True)

    dots2 = jax.lax.dot_general(
        psi2, c,
        dimension_numbers=(((1,), (1,)), ((), ())),
        preferred_element_type=jnp.float32,
    )
    logits = dots2 - (q_sq + jnp.transpose(c_sq))
    logits_ref[...] = logits

    maxv = jnp.max(logits, axis=1, keepdims=True)
    mask = logits == maxv
    colf = jax.lax.broadcasted_iota(jnp.int32, logits.shape, 1).astype(
        jnp.float32)
    idxf = jnp.min(jnp.where(mask, colf, float(N_CENTERS)), axis=1,
                   keepdims=True)
    assign_ref[...] = idxf.astype(jnp.int32)


_SC_INFO = plsc.get_sparse_core_info()
_NC = _SC_INFO.num_cores
_NS = _SC_INFO.num_subcores
_NW = _NC * _NS


def _sc_counts_body(assign_hbm, zeros_hbm, out_hbm,
                    idx_v, hist_v, red_v, tmp_v, shared, sem):
    m = assign_hbm.shape[0]
    per_w = m // _NW
    cid = lax.axis_index("c")
    sid = lax.axis_index("s")
    wid = sid * _NC + cid

    pltpu.sync_copy(zeros_hbm, hist_v)
    pltpu.sync_copy(assign_hbm.at[pl.ds(wid * per_w, per_w)], idx_v)

    lanes = lax.iota(jnp.int32, 16)
    ones = jnp.ones((16,), jnp.float32)
    lane_off = lanes * N_CENTERS

    def scatter_body(j, carry):
        idx16 = idx_v[pl.ds(j * 16, 16)]
        plsc.addupdate_scatter(hist_v, [lane_off + idx16], ones)
        return carry

    lax.fori_loop(0, per_w // 16, scatter_body, 0)

    def reduce_body(cidx, carry):
        base = cidx * 16
        acc = hist_v[pl.ds(base, 16)]
        for r in range(1, 16):
            acc = acc + hist_v[pl.ds(r * N_CENTERS + base, 16)]
        red_v[pl.ds(base, 16)] = acc
        return carry

    lax.fori_loop(0, N_CENTERS // 16, reduce_body, 0)

    pltpu.sync_copy(red_v, shared.at[sid])
    plsc.subcore_barrier()

    @pl.when(sid == 0)
    def _final():
        def fold_body(r, carry):
            pltpu.sync_copy(shared.at[r], tmp_v)

            def add_body(cidx, carry2):
                sl = pl.ds(cidx * 16, 16)
                red_v[sl] = red_v[sl] + tmp_v[sl]
                return carry2

            lax.fori_loop(0, N_CENTERS // 16, add_body, 0)
            return carry

        pltpu.sync_copy(shared.at[0], red_v)
        lax.fori_loop(1, _NS, fold_body, 0)
        pltpu.sync_copy(red_v, out_hbm.at[cid])


@jax.jit
def kernel(Psi, cluster_centers):
    m, k = Psi.shape
    n = cluster_centers.shape[0]
    grid = (m // BLOCK_M,)

    logits, assignments2d = pl.pallas_call(
        _fused_kernel,
        grid=grid,
        in_specs=[
            pl.BlockSpec((BLOCK_M, k), lambda i: (i, 0)),
            pl.BlockSpec((n, k), lambda i: (0, 0)),
        ],
        out_specs=[
            pl.BlockSpec((BLOCK_M, n), lambda i: (i, 0)),
            pl.BlockSpec((BLOCK_M, 1), lambda i: (i, 0)),
        ],
        out_shape=[
            jax.ShapeDtypeStruct((m, n), jnp.float32),
            jax.ShapeDtypeStruct((m, 1), jnp.int32),
        ],
        compiler_params=pltpu.CompilerParams(
            dimension_semantics=("arbitrary",),
        ),
    )(Psi, cluster_centers)

    assignments = assignments2d.reshape(m)

    sc_counts = pl.kernel(
        _sc_counts_body,
        mesh=plsc.VectorSubcoreMesh(core_axis_name="c", subcore_axis_name="s"),
        compiler_params=pltpu.CompilerParams(needs_layout_passes=False),
        out_type=jax.ShapeDtypeStruct((_NC, n), jnp.float32),
        scratch_types=[
            pltpu.VMEM((m // _NW,), jnp.int32),
            pltpu.VMEM((16 * n,), jnp.float32),
            pltpu.VMEM((n,), jnp.float32),
            pltpu.VMEM((n,), jnp.float32),
            pltpu.VMEM_SHARED((_NS, n), jnp.float32),
            pltpu.SemaphoreType.DMA,
        ],
    )
    counts_parts = sc_counts(assignments, jnp.zeros((16 * n,), jnp.float32))
    counts = counts_parts[0] + counts_parts[1]

    return logits, assignments, counts

# --- scband reference (transcript-rebuilt; emitter-appended) ---
"""Pipeline reference for scband-segmenter-91207925498441 (READ-ONLY COPY).

The authoritative reference and input builder live on the scoring server;
editing this copy changes nothing except your own understanding.
"""

import jax, jax.numpy as jnp
import numpy as np

N_CLS = 512

def setup_inputs(seed: int = 0) -> dict:
    key = jax.random.key(seed)
    k1, k2 = jax.random.split(key)
    Psi = jax.random.normal(k1, (65536, 64), dtype=jnp.float32)
    cluster_centers = jax.random.normal(k2, (N_CLS, 64), dtype=jnp.float32)
    return {"Psi": Psi, "cluster_centers": cluster_centers}

def reference(Psi, cluster_centers):
    # Faithful port of Segmenter.clustering (the retrieval/kNN core):
    # kmeans_cfg['l2_normalize'] == True
    norms = jnp.sqrt(jnp.sum(Psi * Psi, axis=1, keepdims=True))
    Psi_n = Psi / jnp.maximum(norms, 1e-12)
    # squared euclidean distance to all cluster centers (keys)
    q_sq = jnp.sum(Psi_n ** 2, axis=1)[:, None]
    c_sq = jnp.sum(cluster_centers ** 2, axis=1)[None, :]
    logits = q_sq + c_sq - 2.0 * (Psi_n @ cluster_centers.T)
    logits = -logits
    # nearest-center assignment (top-1 retrieval)
    assignments = jnp.argmax(logits, axis=1)
    onehot_assignments = jax.nn.one_hot(assignments, N_CLS, dtype=jnp.float32)
    # per-cluster counts (used for EMA center update in training)
    counts = jnp.sum(onehot_assignments, axis=0)
    return (logits, assignments, counts)

if __name__ == "__main__":
    import jax
    _d = setup_inputs()
    print(jax.jit(kernel)(*tuple(_d.values())))

</pallas_src>

<mosaic_0001>
#map = affine_map<(d0, d1) -> (0)>
#map1 = affine_map<(d0, d1) -> (0, 0)>
module attributes {stable_mosaic.version = 14 : i64} {
  func.func @_sc_counts_body(%arg0: i32, %arg1: i32, %arg2: memref<65536xi32, #tpu.memory_space<hbm>>, %arg3: memref<8192xf32, #tpu.memory_space<hbm>>, %arg4: memref<2x512xf32, #tpu.memory_space<hbm>>, %arg5: memref<2048xi32, #tpu.memory_space<vmem>>, %arg6: memref<8192xf32, #tpu.memory_space<vmem>>, %arg7: memref<512xf32, #tpu.memory_space<vmem>>, %arg8: memref<512xf32, #tpu.memory_space<vmem>>, %arg9: memref<16x512xf32, #tpu.memory_space<vmem_shared>>, %arg10: memref<!tpu.dma_semaphore, #tpu.memory_space<semaphore_mem>>) attributes {dimension_semantics = [#tpu.dimension_semantics<core_parallel>, #tpu.dimension_semantics<subcore_parallel>], iteration_bounds = array<i64: 2, 16>, scalar_prefetch = 0 : i64, scratch_operands = 6 : i64, tpu.core_type = #tpu.core_type<sc_vector_subcore>, window_params = [{transform_indices = #map}, {transform_indices = #map}, {transform_indices = #map1}]} {
    %mul3A = arith.constant 2 : i32
    %mul3A_0 = arith.muli %arg1, %mul3A : i32
    %add3A = arith.addi %mul3A_0, %arg0 : i32
    "tpu.region"() ({
      %run_scoped3A = tpu.sem_alloc : memref<!tpu.dma_semaphore, #tpu.memory_space<semaphore_mem>>
      tpu.enqueue_dma source(%arg3 : memref<8192xf32, #tpu.memory_space<hbm>>) target(%arg6 : memref<8192xf32, #tpu.memory_space<vmem>>) target_semaphore(%run_scoped3A : memref<!tpu.dma_semaphore, #tpu.memory_space<semaphore_mem>>)
      tpu.wait_dma2 semaphore(%run_scoped3A : memref<!tpu.dma_semaphore, #tpu.memory_space<semaphore_mem>>) src(%arg3 : memref<8192xf32, #tpu.memory_space<hbm>>) dst(%arg6 : memref<8192xf32, #tpu.memory_space<vmem>>)
      tpu.yield
    }) : () -> ()
    %mul3A_1 = arith.constant 2048 : i32
    %mul3A_2 = arith.muli %add3A, %mul3A_1 : i32
    "tpu.region"() ({
      %run_scoped3A = tpu.sem_alloc : memref<!tpu.dma_semaphore, #tpu.memory_space<semaphore_mem>>
      %dma_start3A = tpu.memref_slice %arg2[%mul3A_2] : memref<65536xi32, #tpu.memory_space<hbm>> -> memref<2048xi32, #tpu.memory_space<hbm>>
      %dma_start3A_20 = tpu.memref_slice %arg2[%mul3A_2] : memref<65536xi32, #tpu.memory_space<hbm>> -> memref<2048xi32, #tpu.memory_space<hbm>>
      tpu.enqueue_dma source(%dma_start3A_20 : memref<2048xi32, #tpu.memory_space<hbm>>) target(%arg5 : memref<2048xi32, #tpu.memory_space<vmem>>) target_semaphore(%run_scoped3A : memref<!tpu.dma_semaphore, #tpu.memory_space<semaphore_mem>>)
      %dma_wait3A = tpu.memref_slice %arg2[%mul3A_2] : memref<65536xi32, #tpu.memory_space<hbm>> -> memref<2048xi32, #tpu.memory_space<hbm>>
      %dma_wait3A_21 = tpu.memref_slice %arg2[%mul3A_2] : memref<65536xi32, #tpu.memory_space<hbm>> -> memref<2048xi32, #tpu.memory_space<hbm>>
      tpu.wait_dma2 semaphore(%run_scoped3A : memref<!tpu.dma_semaphore, #tpu.memory_space<semaphore_mem>>) src(%dma_wait3A_21 : memref<2048xi32, #tpu.memory_space<hbm>>) dst(%arg5 : memref<2048xi32, #tpu.memory_space<vmem>>)
      tpu.yield
    }) : () -> ()
    %iota3A = tpu.iota {dimensions = array<i32: 0>} : vector<16xi32>
    %broadcast_in_dim3A = arith.constant 1.000000e+00 : f32
    %broadcast_in_dim3A_3 = vector.broadcast %broadcast_in_dim3A : f32 to vector<16xf32>
    %mul3A_4 = arith.constant 512 : i32
    %mul3A_5 = vector.broadcast %mul3A_4 : i32 to vector<16xi32>
    %mul3A_6 = arith.muli %iota3A, %mul3A_5 : vector<16xi32>
    %scan3A = arith.constant 0 : i32
    %scan3A_7 = arith.constant 0 : i32
    %scan3A_8 = arith.constant 128 : i32
    %scan3A_9 = arith.addi %scan3A_7, %scan3A_8 : i32
    %scan3A_10 = arith.constant 1 : i32
    scf.for %scan3A_20 = %scan3A_7 to %scan3A_9 step %scan3A_10  : i32 {
      %mul3A_21 = arith.constant 16 : i32
      %mul3A_22 = arith.muli %scan3A_20, %mul3A_21 : i32
      %get3A = arith.index_cast %mul3A_22 : i32 to index
      %get3A_23 = tpu.vector_load %arg5[%get3A] {strides = array<i32>} : memref<2048xi32, #tpu.memory_space<vmem>>, vector<16xi32>,
      %add3A_24 = arith.addi %mul3A_6, %get3A_23 : vector<16xi32>
      tpu.vector_store_idx %arg6[%add3A_24], %broadcast_in_dim3A_3 {add = true} : memref<8192xf32, #tpu.memory_space<vmem>>[vector<16xi32>], vector<16xf32>,
    }
    %scan3A_11 = arith.constant 128 : i32
    %scan3A_12 = arith.constant 0 : i32
    %scan3A_13 = arith.constant 0 : i32
    %scan3A_14 = arith.constant 32 : i32
    %scan3A_15 = arith.addi %scan3A_13, %scan3A_14 : i32
    %scan3A_16 = arith.constant 1 : i32
    scf.for %scan3A_20 = %scan3A_13 to %scan3A_15 step %scan3A_16  : i32 {
      %mul3A_21 = arith.constant 16 : i32
      %mul3A_22 = arith.muli %scan3A_20, %mul3A_21 : i32
      %get3A = arith.index_cast %mul3A_22 : i32 to index
      %get3A_23 = tpu.vector_load %arg6[%get3A] {strides = array<i32>} : memref<8192xf32, #tpu.memory_space<vmem>>, vector<16xf32>,
      %add3A_24 = arith.constant 512 : i32
      %add3A_25 = arith.addi %add3A_24, %mul3A_22 : i32
      %get3A_26 = arith.index_cast %add3A_25 : i32 to index
      %get3A_27 = tpu.vector_load %arg6[%get3A_26] {strides = array<i32>} : memref<8192xf32, #tpu.memory_space<vmem>>, vector<16xf32>,
      %add3A_28 = arith.addf %get3A_23, %get3A_27 : vector<16xf32>
      %add3A_29 = arith.constant 1024 : i32
      %add3A_30 = arith.addi %add3A_29, %mul3A_22 : i32
      %get3A_31 = arith.index_cast %add3A_30 : i32 to index
      %get3A_32 = tpu.vector_load %arg6[%get3A_31] {strides = array<i32>} : memref<8192xf32, #tpu.memory_space<vmem>>, vector<16xf32>,
      %add3A_33 = arith.addf %add3A_28, %get3A_32 : vector<16xf32>
      %add3A_34 = arith.constant 1536 : i32
      %add3A_35 = arith.addi %add3A_34, %mul3A_22 : i32
      %get3A_36 = arith.index_cast %add3A_35 : i32 to index
      %get3A_37 = tpu.vector_load %arg6[%get3A_36] {strides = array<i32>} : memref<8192xf32, #tpu.memory_space<vmem>>, vector<16xf32>,
      %add3A_38 = arith.addf %add3A_33, %get3A_37 : vector<16xf32>
      %add3A_39 = arith.constant 2048 : i32
      %add3A_40 = arith.addi %add3A_39, %mul3A_22 : i32
      %get3A_41 = arith.index_cast %add3A_40 : i32 to index
      %get3A_42 = tpu.vector_load %arg6[%get3A_41] {strides = array<i32>} : memref<8192xf32, #tpu.memory_space<vmem>>, vector<16xf32>,
      %add3A_43 = arith.addf %add3A_38, %get3A_42 : vector<16xf32>
      %add3A_44 = arith.constant 2560 : i32
      %add3A_45 = arith.addi %add3A_44, %mul3A_22 : i32
      %get3A_46 = arith.index_cast %add3A_45 : i32 to index
      %get3A_47 = tpu.vector_load %arg6[%get3A_46] {strides = array<i32>} : memref<8192xf32, #tpu.memory_space<vmem>>, vector<16xf32>,
      %add3A_48 = arith.addf %add3A_43, %get3A_47 : vector<16xf32>
      %add3A_49 = arith.constant 3072 : i32
      %add3A_50 = arith.addi %add3A_49, %mul3A_22 : i32
      %get3A_51 = arith.index_cast %add3A_50 : i32 to index
      %get3A_52 = tpu.vector_load %arg6[%get3A_51] {strides = array<i32>} : memref<8192xf32, #tpu.memory_space<vmem>>, vector<16xf32>,
      %add3A_53 = arith.addf %add3A_48, %get3A_52 : vector<16xf32>
      %add3A_54 = arith.constant 3584 : i32
      %add3A_55 = arith.addi %add3A_54, %mul3A_22 : i32
      %get3A_56 = arith.index_cast %add3A_55 : i32 to index
      %get3A_57 = tpu.vector_load %arg6[%get3A_56] {strides = array<i32>} : memref<8192xf32, #tpu.memory_space<vmem>>, vector<16xf32>,
      %add3A_58 = arith.addf %add3A_53, %get3A_57 : vector<16xf32>
      %add3A_59 = arith.constant 4096 : i32
      %add3A_60 = arith.addi %add3A_59, %mul3A_22 : i32
      %get3A_61 = arith.index_cast %add3A_60 : i32 to index
      %get3A_62 = tpu.vector_load %arg6[%get3A_61] {strides = array<i32>} : memref<8192xf32, #tpu.memory_space<vmem>>, vector<16xf32>,
      %add3A_63 = arith.addf %add3A_58, %get3A_62 : vector<16xf32>
      %add3A_64 = arith.constant 4608 : i32
      %add3A_65 = arith.addi %add3A_64, %mul3A_22 : i32
      %get3A_66 = arith.index_cast %add3A_65 : i32 to index
      %get3A_67 = tpu.vector_load %arg6[%get3A_66] {strides = array<i32>} : memref<8192xf32, #tpu.memory_space<vmem>>, vector<16xf32>,
      %add3A_68 = arith.addf %add3A_63, %get3A_67 : vector<16xf32>
      %add3A_69 = arith.constant 5120 : i32
      %add3A_70 = arith.addi %add3A_69, %mul3A_22 : i32
      %get3A_71 = arith.index_cast %add3A_70 : i32 to index
      %get3A_72 = tpu.vector_load %arg6[%get3A_71] {strides = array<i32>} : memref<8192xf32, #tpu.memory_space<vmem>>, vector<16xf32>,
      %add3A_73 = arith.addf %add3A_68, %get3A_72 : vector<16xf32>
      %add3A_74 = arith.constant 5632 : i32
      %add3A_75 = arith.addi %add3A_74, %mul3A_22 : i32
      %get3A_76 = arith.index_cast %add3A_75 : i32 to index
      %get3A_77 = tpu.vector_load %arg6[%get3A_76] {strides = array<i32>} : memref<8192xf32, #tpu.memory_space<vmem>>, vector<16xf32>,
      %add3A_78 = arith.addf %add3A_73, %get3A_77 : vector<16xf32>
      %add3A_79 = arith.constant 6144 : i32
      %add3A_80 = arith.addi %add3A_79, %mul3A_22 : i32
      %get3A_81 = arith.index_cast %add3A_80 : i32 to index
      %get3A_82 = tpu.vector_load %arg6[%get3A_81] {strides = array<i32>} : memref<8192xf32, #tpu.memory_space<vmem>>, vector<16xf32>,
      %add3A_83 = arith.addf %add3A_78, %get3A_82 : vector<16xf32>
      %add3A_84 = arith.constant 6656 : i32
      %add3A_85 = arith.addi %add3A_84, %mul3A_22 : i32
      %get3A_86 = arith.index_cast %add3A_85 : i32 to index
      %get3A_87 = tpu.vector_load %arg6[%get3A_86] {strides = array<i32>} : memref<8192xf32, #tpu.memory_space<vmem>>, vector<16xf32>,
      %add3A_88 = arith.addf %add3A_83, %get3A_87 : vector<16xf32>
      %add3A_89 = arith.constant 7168 : i32
      %add3A_90 = arith.addi %add3A_89, %mul3A_22 : i32
      %get3A_91 = arith.index_cast %add3A_90 : i32 to index
      %get3A_92 = tpu.vector_load %arg6[%get3A_91] {strides = array<i32>} : memref<8192xf32, #tpu.memory_space<vmem>>, vector<16xf32>,
      %add3A_93 = arith.addf %add3A_88, %get3A_92 : vector<16xf32>
      %add3A_94 = arith.constant 7680 : i32
      %add3A_95 = arith.addi %add3A_94, %mul3A_22 : i32
      %get3A_96 = arith.index_cast %add3A_95 : i32 to index
      %get3A_97 = tpu.vector_load %arg6[%get3A_96] {strides = array<i32>} : memref<8192xf32, #tpu.memory_space<vmem>>, vector<16xf32>,
      %add3A_98 = arith.addf %add3A_93, %get3A_97 : vector<16xf32>
      %swap3A = arith.index_cast %mul3A_22 : i32 to index
      %swap3A_99 = tpu.vector_load %arg7[%swap3A] {strides = array<i32>} : memref<512xf32, #tpu.memory_space<vmem>>, vector<16xf32>,
      tpu.vector_store %arg7[%swap3A], %add3A_98 {strides = array<i32>} : memref<512xf32, #tpu.memory_space<vmem>>, vector<16xf32>,
    }
    %scan3A_17 = arith.constant 32 : i32
    "tpu.region"() ({
      %run_scoped3A = tpu.sem_alloc : memref<!tpu.dma_semaphore, #tpu.memory_space<semaphore_mem>>
      %dma_start3A = arith.constant 0 : i32
      %dma_start3A_20 = tpu.memref_slice %arg9[%arg1, %dma_start3A] : memref<16x512xf32, #tpu.memory_space<vmem_shared>> -> memref<1x512xf32, #tpu.memory_space<vmem_shared>>
      %dma_start3A_21 = tpu.memref_squeeze %dma_start3A_20 : memref<1x512xf32, #tpu.memory_space<vmem_shared>> -> memref<512xf32, #tpu.memory_space<vmem_shared>>
      %dma_start3A_22 = arith.constant 0 : i32
      %dma_start3A_23 = tpu.memref_slice %arg9[%arg1, %dma_start3A_22] : memref<16x512xf32, #tpu.memory_space<vmem_shared>> -> memref<1x512xf32, #tpu.memory_space<vmem_shared>>
      %dma_start3A_24 = tpu.memref_squeeze %dma_start3A_23 : memref<1x512xf32, #tpu.memory_space<vmem_shared>> -> memref<512xf32, #tpu.memory_space<vmem_shared>>
      tpu.enqueue_dma source(%arg7 : memref<512xf32, #tpu.memory_space<vmem>>) target(%dma_start3A_24 : memref<512xf32, #tpu.memory_space<vmem_shared>>) target_semaphore(%run_scoped3A : memref<!tpu.dma_semaphore, #tpu.memory_space<semaphore_mem>>)
      %dma_wait3A = arith.constant 0 : i32
      %dma_wait3A_25 = tpu.memref_slice %arg9[%arg1, %dma_wait3A] : memref<16x512xf32, #tpu.memory_space<vmem_shared>> -> memref<1x512xf32, #tpu.memory_space<vmem_shared>>
      %dma_wait3A_26 = tpu.memref_squeeze %dma_wait3A_25 : memref<1x512xf32, #tpu.memory_space<vmem_shared>> -> memref<512xf32, #tpu.memory_space<vmem_shared>>
      %dma_wait3A_27 = arith.constant 0 : i32
      %dma_wait3A_28 = tpu.memref_slice %arg9[%arg1, %dma_wait3A_27] : memref<16x512xf32, #tpu.memory_space<vmem_shared>> -> memref<1x512xf32, #tpu.memory_space<vmem_shared>>
      %dma_wait3A_29 = tpu.memref_squeeze %dma_wait3A_28 : memref<1x512xf32, #tpu.memory_space<vmem_shared>> -> memref<512xf32, #tpu.memory_space<vmem_shared>>
      tpu.wait_dma2 semaphore(%run_scoped3A : memref<!tpu.dma_semaphore, #tpu.memory_space<semaphore_mem>>) src(%arg7 : memref<512xf32, #tpu.memory_space<vmem>>) dst(%dma_wait3A_29 : memref<512xf32, #tpu.memory_space<vmem_shared>>)
      tpu.yield
    }) : () -> ()
    %barrier3A = arith.constant 0 : index
    tpu.barrier barrier_id(%barrier3A)
    %eq3A = arith.constant 0 : i32
    %eq3A_18 = arith.cmpi eq, %arg1, %eq3A : i32
    %convert_element_type3A = arith.extui %eq3A_18 : i1 to i32
    %cond3A = arith.constant 0 : i32
    %cond3A_19 = arith.cmpi ne, %convert_element_type3A, %cond3A : i32
    scf.if %cond3A_19 {
      %run_scoped3A = arith.constant 0 : i32
      "tpu.region"() ({
        %run_scoped3A_26 = tpu.sem_alloc : memref<!tpu.dma_semaphore, #tpu.memory_space<semaphore_mem>>
        %dma_start3A = arith.constant 0 : i32
        %dma_start3A_27 = tpu.memref_slice %arg9[%run_scoped3A, %dma_start3A] : memref<16x512xf32, #tpu.memory_space<vmem_shared>> -> memref<1x512xf32, #tpu.memory_space<vmem_shared>>
        %dma_start3A_28 = tpu.memref_squeeze %dma_start3A_27 : memref<1x512xf32, #tpu.memory_space<vmem_shared>> -> memref<512xf32, #tpu.memory_space<vmem_shared>>
        %dma_start3A_29 = arith.constant 0 : i32
        %dma_start3A_30 = tpu.memref_slice %arg9[%run_scoped3A, %dma_start3A_29] : memref<16x512xf32, #tpu.memory_space<vmem_shared>> -> memref<1x512xf32, #tpu.memory_space<vmem_shared>>
        %dma_start3A_31 = tpu.memref_squeeze %dma_start3A_30 : memref<1x512xf32, #tpu.memory_space<vmem_shared>> -> memref<512xf32, #tpu.memory_space<vmem_shared>>
        tpu.enqueue_dma source(%dma_start3A_31 : memref<512xf32, #tpu.memory_space<vmem_shared>>) target(%arg7 : memref<512xf32, #tpu.memory_space<vmem>>) target_semaphore(%run_scoped3A_26 : memref<!tpu.dma_semaphore, #tpu.memory_space<semaphore_mem>>)
        %dma_wait3A = arith.constant 0 : i32
        %dma_wait3A_32 = tpu.memref_slice %arg9[%run_scoped3A, %dma_wait3A] : memref<16x512xf32, #tpu.memory_space<vmem_shared>> -> memref<1x512xf32, #tpu.memory_space<vmem_shared>>
        %dma_wait3A_33 = tpu.memref_squeeze %dma_wait3A_32 : memref<1x512xf32, #tpu.memory_space<vmem_shared>> -> memref<512xf32, #tpu.memory_space<vmem_shared>>
        %dma_wait3A_34 = arith.constant 0 : i32
        %dma_wait3A_35 = tpu.memref_slice %arg9[%run_scoped3A, %dma_wait3A_34] : memref<16x512xf32, #tpu.memory_space<vmem_shared>> -> memref<1x512xf32, #tpu.memory_space<vmem_shared>>
        %dma_wait3A_36 = tpu.memref_squeeze %dma_wait3A_35 : memref<1x512xf32, #tpu.memory_space<vmem_shared>> -> memref<512xf32, #tpu.memory_space<vmem_shared>>
        tpu.wait_dma2 semaphore(%run_scoped3A_26 : memref<!tpu.dma_semaphore, #tpu.memory_space<semaphore_mem>>) src(%dma_wait3A_36 : memref<512xf32, #tpu.memory_space<vmem_shared>>) dst(%arg7 : memref<512xf32, #tpu.memory_space<vmem>>)
        tpu.yield
      }) : () -> ()
      %scan3A_20 = arith.constant 0 : i32
      %scan3A_21 = arith.constant 1 : i32
      %scan3A_22 = arith.constant 15 : i32
      %scan3A_23 = arith.addi %scan3A_21, %scan3A_22 : i32
      %scan3A_24 = arith.constant 1 : i32
      scf.for %scan3A_26 = %scan3A_21 to %scan3A_23 step %scan3A_24  : i32 {
        "tpu.region"() ({
          %run_scoped3A_33 = tpu.sem_alloc : memref<!tpu.dma_semaphore, #tpu.memory_space<semaphore_mem>>
          %dma_start3A = arith.constant 0 : i32
          %dma_start3A_34 = tpu.memref_slice %arg9[%scan3A_26, %dma_start3A] : memref<16x512xf32, #tpu.memory_space<vmem_shared>> -> memref<1x512xf32, #tpu.memory_space<vmem_shared>>
          %dma_start3A_35 = tpu.memref_squeeze %dma_start3A_34 : memref<1x512xf32, #tpu.memory_space<vmem_shared>> -> memref<512xf32, #tpu.memory_space<vmem_shared>>
          %dma_start3A_36 = arith.constant 0 : i32
          %dma_start3A_37 = tpu.memref_slice %arg9[%scan3A_26, %dma_start3A_36] : memref<16x512xf32, #tpu.memory_space<vmem_shared>> -> memref<1x512xf32, #tpu.memory_space<vmem_shared>>
          %dma_start3A_38 = tpu.memref_squeeze %dma_start3A_37 : memref<1x512xf32, #tpu.memory_space<vmem_shared>> -> memref<512xf32, #tpu.memory_space<vmem_shared>>
          tpu.enqueue_dma source(%dma_start3A_38 : memref<512xf32, #tpu.memory_space<vmem_shared>>) target(%arg8 : memref<512xf32, #tpu.memory_space<vmem>>) target_semaphore(%run_scoped3A_33 : memref<!tpu.dma_semaphore, #tpu.memory_space<semaphore_mem>>)
          %dma_wait3A = arith.constant 0 : i32
          %dma_wait3A_39 = tpu.memref_slice %arg9[%scan3A_26, %dma_wait3A] : memref<16x512xf32, #tpu.memory_space<vmem_shared>> -> memref<1x512xf32, #tpu.memory_space<vmem_shared>>
          %dma_wait3A_40 = tpu.memref_squeeze %dma_wait3A_39 : memref<1x512xf32, #tpu.memory_space<vmem_shared>> -> memref<512xf32, #tpu.memory_space<vmem_shared>>
          %dma_wait3A_41 = arith.constant 0 : i32
          %dma_wait3A_42 = tpu.memref_slice %arg9[%scan3A_26, %dma_wait3A_41] : memref<16x512xf32, #tpu.memory_space<vmem_shared>> -> memref<1x512xf32, #tpu.memory_space<vmem_shared>>
          %dma_wait3A_43 = tpu.memref_squeeze %dma_wait3A_42 : memref<1x512xf32, #tpu.memory_space<vmem_shared>> -> memref<512xf32, #tpu.memory_space<vmem_shared>>
          tpu.wait_dma2 semaphore(%run_scoped3A_33 : memref<!tpu.dma_semaphore, #tpu.memory_space<semaphore_mem>>) src(%dma_wait3A_43 : memref<512xf32, #tpu.memory_space<vmem_shared>>) dst(%arg8 : memref<512xf32, #tpu.memory_space<vmem>>)
          tpu.yield
        }) : () -> ()
        %scan3A_27 = arith.constant 0 : i32
        %scan3A_28 = arith.constant 0 : i32
        %scan3A_29 = arith.constant 32 : i32
        %scan3A_30 = arith.addi %scan3A_28, %scan3A_29 : i32
        %scan3A_31 = arith.constant 1 : i32
        scf.for %scan3A_33 = %scan3A_28 to %scan3A_30 step %scan3A_31  : i32 {
          %mul3A_34 = arith.constant 16 : i32
          %mul3A_35 = arith.muli %scan3A_33, %mul3A_34 : i32
          %get3A = arith.index_cast %mul3A_35 : i32 to index
          %get3A_36 = tpu.vector_load %arg7[%get3A] {strides = array<i32>} : memref<512xf32, #tpu.memory_space<vmem>>, vector<16xf32>,
          %get3A_37 = arith.index_cast %mul3A_35 : i32 to index
          %get3A_38 = tpu.vector_load %arg8[%get3A_37] {strides = array<i32>} : memref<512xf32, #tpu.memory_space<vmem>>, vector<16xf32>,
          %add3A_39 = arith.addf %get3A_36, %get3A_38 : vector<16xf32>
          %swap3A = arith.index_cast %mul3A_35 : i32 to index
          %swap3A_40 = tpu.vector_load %arg7[%swap3A] {strides = array<i32>} : memref<512xf32, #tpu.memory_space<vmem>>, vector<16xf32>,
          tpu.vector_store %arg7[%swap3A], %add3A_39 {strides = array<i32>} : memref<512xf32, #tpu.memory_space<vmem>>, vector<16xf32>,
        }
        %scan3A_32 = arith.constant 32 : i32
      }
      %scan3A_25 = arith.constant 15 : i32
      "tpu.region"() ({
        %run_scoped3A_26 = tpu.sem_alloc : memref<!tpu.dma_semaphore, #tpu.memory_space<semaphore_mem>>
        %dma_start3A = arith.constant 0 : i32
        %dma_start3A_27 = tpu.memref_slice %arg4[%arg0, %dma_start3A] : memref<2x512xf32, #tpu.memory_space<hbm>> -> memref<1x512xf32, #tpu.memory_space<hbm>>
        %dma_start3A_28 = tpu.memref_squeeze %dma_start3A_27 : memref<1x512xf32, #tpu.memory_space<hbm>> -> memref<512xf32, #tpu.memory_space<hbm>>
        %dma_start3A_29 = arith.constant 0 : i32
        %dma_start3A_30 = tpu.memref_slice %arg4[%arg0, %dma_start3A_29] : memref<2x512xf32, #tpu.memory_space<hbm>> -> memref<1x512xf32, #tpu.memory_space<hbm>>
        %dma_start3A_31 = tpu.memref_squeeze %dma_start3A_30 : memref<1x512xf32, #tpu.memory_space<hbm>> -> memref<512xf32, #tpu.memory_space<hbm>>
        tpu.enqueue_dma source(%arg7 : memref<512xf32, #tpu.memory_space<vmem>>) target(%dma_start3A_31 : memref<512xf32, #tpu.memory_space<hbm>>) target_semaphore(%run_scoped3A_26 : memref<!tpu.dma_semaphore, #tpu.memory_space<semaphore_mem>>)
        %dma_wait3A = arith.constant 0 : i32
        %dma_wait3A_32 = tpu.memref_slice %arg4[%arg0, %dma_wait3A] : memref<2x512xf32, #tpu.memory_space<hbm>> -> memref<1x512xf32, #tpu.memory_space<hbm>>
        %dma_wait3A_33 = tpu.memref_squeeze %dma_wait3A_32 : memref<1x512xf32, #tpu.memory_space<hbm>> -> memref<512xf32, #tpu.memory_space<hbm>>
        %dma_wait3A_34 = arith.constant 0 : i32
        %dma_wait3A_35 = tpu.memref_slice %arg4[%arg0, %dma_wait3A_34] : memref<2x512xf32, #tpu.memory_space<hbm>> -> memref<1x512xf32, #tpu.memory_space<hbm>>
        %dma_wait3A_36 = tpu.memref_squeeze %dma_wait3A_35 : memref<1x512xf32, #tpu.memory_space<hbm>> -> memref<512xf32, #tpu.memory_space<hbm>>
        tpu.wait_dma2 semaphore(%run_scoped3A_26 : memref<!tpu.dma_semaphore, #tpu.memory_space<semaphore_mem>>) src(%arg7 : memref<512xf32, #tpu.memory_space<vmem>>) dst(%dma_wait3A_36 : memref<512xf32, #tpu.memory_space<hbm>>)
        tpu.yield
      }) : () -> ()
    } else {
    }
    return
  }
}

module attributes {stable_mosaic.version = 14 : i64} {
  func.func @_fused_kernel(%arg0: i32, %arg1: memref<4096x64xf32, #tpu.memory_space<vmem>>, %arg2: memref<512x64xf32, #tpu.memory_space<vmem>>, %arg3: memref<4096x512xf32, #tpu.memory_space<vmem>>, %arg4: memref<4096x1xi32, #tpu.memory_space<vmem>>) attributes {dimension_semantics = [#tpu.dimension_semantics<arbitrary>], iteration_bounds = array<i64: 16>, scalar_prefetch = 0 : i64, scratch_operands = 0 : i64, tpu.core_type = #tpu.core_type<tc>, window_params = [{transform_indices = @transform_0, window_bounds = array<i64: 4096, 64>}, {pipeline_mode = #tpu.pipeline_mode<synchronous>, transform_indices = @transform_1, window_bounds = array<i64: 512, 64>}, {transform_indices = @transform_2, window_bounds = array<i64: 4096, 512>}, {transform_indices = @transform_3, window_bounds = array<i64: 4096, 1>}]} {
    %get3A = arith.constant 0 : index
    %get3A_0 = arith.constant 0 : index
    %get3A_1 = vector.load %arg1[%get3A, %get3A_0] : memref<4096x64xf32, #tpu.memory_space<vmem>>, vector<4096x64xf32>
    %mul3A = arith.mulf %get3A_1, %get3A_1 : vector<4096x64xf32>
    %reduce_sum3A = arith.constant dense<0.000000e+00> : vector<4096xf32>
    %reduce_sum3A_2 = vector.multi_reduction <add>, %mul3A, %reduce_sum3A [1] : vector<4096x64xf32> to vector<4096xf32>
    %broadcast_in_dim3A = vector.shape_cast %reduce_sum3A_2 : vector<4096xf32> to vector<4096x1xf32>
    %sqrt3A = math.sqrt %broadcast_in_dim3A : vector<4096x1xf32>
    %max3A = arith.constant 9.99999996E-13 : f32
    %max3A_3 = vector.broadcast %max3A : f32 to vector<4096x1xf32>
    %max3A_4 = arith.maximumf %sqrt3A, %max3A_3 : vector<4096x1xf32>
    %div3A = arith.constant 1.000000e+00 : f32
    %div3A_5 = vector.broadcast %div3A : f32 to vector<4096x1xf32>
    %div3A_6 = arith.divf %div3A_5, %max3A_4 : vector<4096x1xf32>
    %mul3A_7 = arith.mulf %broadcast_in_dim3A, %div3A_6 : vector<4096x1xf32>
    %mul3A_8 = arith.mulf %mul3A_7, %div3A_6 : vector<4096x1xf32>
    %add3A = arith.addf %div3A_6, %div3A_6 : vector<4096x1xf32>
    %mul3A_9 = vector.broadcast %add3A : vector<4096x1xf32> to vector<4096x64xf32>
    %mul3A_10 = arith.mulf %get3A_1, %mul3A_9 : vector<4096x64xf32>
    %get3A_11 = arith.constant 0 : index
    %get3A_12 = arith.constant 0 : index
    %get3A_13 = vector.load %arg2[%get3A_11, %get3A_12] : memref<512x64xf32, #tpu.memory_space<vmem>>, vector<512x64xf32>
    %mul3A_14 = arith.mulf %get3A_13, %get3A_13 : vector<512x64xf32>
    %reduce_sum3A_15 = arith.constant dense<0.000000e+00> : vector<512xf32>
    %reduce_sum3A_16 = vector.multi_reduction <add>, %mul3A_14, %reduce_sum3A_15 [1] : vector<512x64xf32> to vector<512xf32>
    %broadcast_in_dim3A_17 = vector.shape_cast %reduce_sum3A_16 : vector<512xf32> to vector<512x1xf32>
    %dot_general3A = arith.constant dense<0.000000e+00> : vector<4096x512xf32>
    %dot_general3A_18 = tpu.matmul %mul3A_10, %get3A_13, %dot_general3A {dimension_numbers = #tpu.dot_dimension_numbers<[1], [1], [0], [0], [0, 0, 1, 0], [], []>, transpose_lhs_hint = false} : vector<4096x64xf32>, vector<512x64xf32>, vector<4096x512xf32> -> vector<4096x512xf32>
    %transpose3A = tpu.transpose %broadcast_in_dim3A_17, [1, 0] : vector<512x1xf32> -> vector<1x512xf32>
    %add3A_19 = vector.broadcast %mul3A_8 : vector<4096x1xf32> to vector<4096x512xf32>
    %add3A_20 = vector.broadcast %transpose3A : vector<1x512xf32> to vector<4096x512xf32>
    %add3A_21 = arith.addf %add3A_19, %add3A_20 : vector<4096x512xf32>
    %sub3A = arith.subf %dot_general3A_18, %add3A_21 : vector<4096x512xf32>
    %swap3A = arith.constant 0 : index
    %swap3A_22 = arith.constant 0 : index
    %swap3A_23 = vector.load %arg3[%swap3A, %swap3A_22] : memref<4096x512xf32, #tpu.memory_space<vmem>>, vector<4096x512xf32>
    tpu.vector_store %arg3[%swap3A, %swap3A_22], %sub3A {strides = array<i32>} : memref<4096x512xf32, #tpu.memory_space<vmem>>, vector<4096x512xf32>,
    %reduce_max3A = arith.constant dense<0xFF800000> : vector<4096xf32>
    %reduce_max3A_24 = vector.multi_reduction <maximumf>, %sub3A, %reduce_max3A [1] : vector<4096x512xf32> to vector<4096xf32>
    %broadcast_in_dim3A_25 = vector.shape_cast %reduce_max3A_24 : vector<4096xf32> to vector<4096x1xf32>
    %eq3A = vector.broadcast %broadcast_in_dim3A_25 : vector<4096x1xf32> to vector<4096x512xf32>
    %eq3A_26 = arith.cmpf oeq, %sub3A, %eq3A : vector<4096x512xf32>
    %iota3A = tpu.iota {dimensions = array<i32: 1>} : vector<4096x512xi32>
    %convert_element_type3A = arith.sitofp %iota3A : vector<4096x512xi32> to vector<4096x512xf32>
    %jit3A = arith.constant 5.120000e+02 : f32
    %broadcast_in_dim3A_27 = vector.broadcast %jit3A : f32 to vector<4096x512xf32>
    %select_n3A = arith.select %eq3A_26, %convert_element_type3A, %broadcast_in_dim3A_27 : vector<4096x512xi1>, vector<4096x512xf32>
    %reduce_min3A = arith.constant dense<0x7F800000> : vector<4096xf32>
    %reduce_min3A_28 = vector.multi_reduction <minimumf>, %select_n3A, %reduce_min3A [1] : vector<4096x512xf32> to vector<4096xf32>
    %broadcast_in_dim3A_29 = vector.shape_cast %reduce_min3A_28 : vector<4096xf32> to vector<4096x1xf32>
    %convert_element_type3A_30 = arith.fptosi %broadcast_in_dim3A_29 : vector<4096x1xf32> to vector<4096x1xi32>
    %swap3A_31 = arith.constant 0 : index
    %swap3A_32 = arith.constant 0 : index
    %swap3A_33 = vector.load %arg4[%swap3A_31, %swap3A_32] : memref<4096x1xi32, #tpu.memory_space<vmem>>, vector<4096x1xi32>
    tpu.vector_store %arg4[%swap3A_31, %swap3A_32], %convert_element_type3A_30 {strides = array<i32>} : memref<4096x1xi32, #tpu.memory_space<vmem>>, vector<4096x1xi32>,
    return
  }
  func.func @transform_0(%arg0: i32) -> (i32, i32) {
    %c0_i32 = arith.constant 0 : i32
    %c0_i32_0 = arith.constant 0 : i32
    return %arg0, %c0_i32 : i32, i32
  }
  func.func @transform_1(%arg0: i32) -> (i32, i32) {
    %c0_i32 = arith.constant 0 : i32
    %c0_i32_0 = arith.constant 0 : i32
    %c0_i32_1 = arith.constant 0 : i32
    return %c0_i32, %c0_i32_0 : i32, i32
  }
  func.func @transform_2(%arg0: i32) -> (i32, i32) {
    %c0_i32 = arith.constant 0 : i32
    %c0_i32_0 = arith.constant 0 : i32
    return %arg0, %c0_i32 : i32, i32
  }
  func.func @transform_3(%arg0: i32) -> (i32, i32) {
    %c0_i32 = arith.constant 0 : i32
    %c0_i32_0 = arith.constant 0 : i32
    return %arg0, %c0_i32 : i32, i32
  }
}

</mosaic_0001>

<sc_bundles>
// kernel: kernel.4.cloned.1.call-start
scs
__scs_entry_jumppad:
0x0: {  	(pc) =	sbr.rel $0x88, $3  }
0x1: {  	(tag) =	ssettag $0x0;
	lr =	simm.s32 $0x1  }
0x2: {  	[smem:$0x3F9F] =	sst lr;
	_ =	strace $0xD0000000  }
0x3: {  	_ = 	snop  }
0x4: {  	_ = 	snop  }
0x5: {  	_ = 	snop  }
0x6: {  	_ = 	snop  }
0x7: {  	_ = 	snop  }
__scs_overlays_trampoline_lowered:
0x8: {  	[smem:$0x3FAE] =	sst s0  }
0x9: {  	[smem:$0x3FAF] =	sst s1  }
0xa: {  	[smem:$0x3FB0] =	sst s2  }
0xb: {  	[smem:$0x3FB1] =	sst s3  }
0xc: {  	[smem:$0x3FB2] =	sst s4  }
0xd: {  	[smem:$0x3FB3] =	sst s5  }
0xe: {  	[smem:$0x3FB4] =	sst s6  }
0xf: {  	[smem:$0x3FB5] =	sst s7  }
0x10: {  	[smem:$0x3FB6] =	sst s8  }
0x11: {  	[smem:$0x3FB7] =	sst s9;
	s0 =	simm.s32 @!p0 $0x0  }
0x12: {  	s1 =	sld [smem:$0x3F9D];
	s0 =	simm.s32 @p0 $0x1  }
0x13: {  	[smem:$0x3FB8] =	sst s0;
	s0 =	simm.s32 @!p1 $0x0  }
0x14: {  	s2 =	sld [smem:$0x3F9C];
	s0 =	simm.s32 @p1 $0x1  }
0x15: {  	[smem:$0x3FB9] =	sst s0;
	s0 =	simm.s32 @!p2 $0x0  }
0x16: {  	s3 =	sld [smem:$0x3FDB];
	s0 =	simm.s32 @p2 $0x1  }
0x17: {  	s4 =	simm.s32 $0x1BF5;
	[smem:$0x3FBB] =	sst s0  }
0x18: {  	s0 =	sld [smem:$0x3F9E];
	_ =	swait.ge [sflag:s4], $0x0  }
0x19: {  	s7 =	sld [smem:$0x3F9F]  }
0x1a: {  	s8 =	sadd.s32 $0xFFFFE003, lr  }
0x1b: {  	s9 =	sadd.s32 $0xFFFFFEF7, lr;
	s5 =	simm.s32 $0xFFFFFFFF;
	p2 =	slt.u32 s8, $0xFFFFF086  }
0x1c: {  	p1 =	slt.u32 s9, $0xF7A;
	s5 =	simm.s32 @!p2 $0x0  }
0x1d: {  	s5 =	simm.s32 @p1 $0x1;
	p0 =	seq.s32 s7, s2  }
0x1e: {  	s7 =	smul.u32 @!p0 $0xF7A, s2;
	p2 =	seq.s32 @!p0 s5, $0x0  }
0x1f: {  	s9 =	smul.u32 $0xF7A, s1;
	s8 =	simm.s32 @!p0 $0x1BF5;
	p2 =	por !p2, p0  }
0x20: {  	[sflag:s8] =	ssyncset.s32 @!p0 $0xFFFFF086;
	s6 =	sadd.s32 @!p0 s3, s7;
	s7 =	simm.s32 @!p0 $0x108  }
0x21: {  	s3 =	sadd.s32 s3, s9;
	s6 =	sadd.s32 @!p0 $0x88, s6;
	s7 =	simm.s32 @p2 $0x1082  }
0x22: {  	[simem:s7], [sflag:s8] =	dma.local @!p0 [hbm:s6], $0xF7A  }
0x23: {  	s9 =	sor.u32 $0xD0000000, s2;
	s6 =	simm.s32 $0x108;
	_ =	swait.ge @!p0 [sflag:s8], $0x0  }
0x24: {  	s3 =	sadd.s32 $0x88, s3;
	s6 =	simm.s32 @!p1 $0x1082;
	[sflag:s4] =	ssyncset.s32 $0xFFFFF086  }
0x25: {  	[simem:s6], [sflag:s4] =	dma.local [hbm:s3], $0xF7A  }
0x26: {  	[smem:$0x3F9F] =	sst s1;
	(tag) =	ssettag s2;
	_ =	strace s9  }
0x27: {  	s1 =	sld [smem:$0x3FAF]  }
0x28: {  	s2 =	sld [smem:$0x3FB0]  }
0x29: {  	s4 =	sld [smem:$0x3FB2]  }
0x2a: {  	p0 =	seq.s32 s5, $0x0;
	s5 =	sld [smem:$0x3FB3]  }
0x2b: {  	s6 =	sld [smem:$0x3FB4]  }
0x2c: {  	s7 =	sld [smem:$0x3FB5]  }
0x2d: {  	s3 =	simm.s32 $0x108;
	s8 =	sld [smem:$0x3FB6]  }
0x2e: {  	s3 =	simm.s32 @!p0 $0x1082;
	s9 =	sld [smem:$0x3FB7]  }
0x2f: {  	lr =	sadd.s32 s0, s3;
	s0 =	sld [smem:$0x3FAE]  }
0x30: {  	s3 =	sld [smem:$0x3FB1]  }
0x31: {  	[smem:$0x3FBA] =	sst s10  }
0x32: {  	s10 =	sld [smem:$0x3FB8];
	_ =	sdelay $0x3  }
0x33: {  	p0 =	seq.s32 s10, $0x1;
	s10 =	sld [smem:$0x3FBA];
	_ =	sdelay $0x3  }
0x34: {  	[smem:$0x3FBA] =	sst s10  }
0x35: {  	s10 =	sld [smem:$0x3FB9];
	_ =	sdelay $0x3  }
0x36: {  	p1 =	seq.s32 s10, $0x1;
	s10 =	sld [smem:$0x3FBA];
	_ =	sdelay $0x3  }
0x37: {  	[smem:$0x3FBA] =	sst s10  }
0x38: {  	s10 =	sld [smem:$0x3FBB]  }
0x39: {  	_ = 	snop;
	(pc) =	sbr.ind lr, $3  }
0x3a: {  	_ = 	snop  }
0x3b: {  	_ = 	snop  }
0x3c: {  	p2 =	seq.s32 s10, $0x1;
	s10 =	sld [smem:$0x3FBA]  }
0x3d: {  	_ =	shalt  }
0x3e: {  	_ =	shalt  }
0x3f: {  	_ =	shalt  }
0x40: {  	_ =	shalt  }
0x41: {  	_ =	shalt  }
0x42: {  	_ =	shalt  }
0x43: {  	_ =	shalt  }
0x44: {  	_ =	shalt  }
0x45: {  	_ =	shalt  }
0x46: {  	_ =	shalt  }
0x47: {  	_ =	shalt  }
0x48: {  	_ =	shalt  }
0x49: {  	_ =	shalt  }
0x4a: {  	_ =	shalt  }
0x4b: {  	_ =	shalt  }
0x4c: {  	_ =	shalt  }
0x4d: {  	_ =	shalt  }
0x4e: {  	_ =	shalt  }
0x4f: {  	_ =	shalt  }
0x50: {  	_ =	shalt  }
0x51: {  	_ =	shalt  }
0x52: {  	_ =	shalt  }
0x53: {  	_ =	shalt  }
0x54: {  	_ =	shalt  }
0x55: {  	_ =	shalt  }
0x56: {  	_ =	shalt  }
0x57: {  	_ =	shalt  }
0x58: {  	_ =	shalt  }
0x59: {  	_ =	shalt  }
0x5a: {  	_ =	shalt  }
0x5b: {  	_ =	shalt  }
0x5c: {  	_ =	shalt  }
0x5d: {  	_ =	shalt  }
0x5e: {  	_ =	shalt  }
0x5f: {  	_ =	shalt  }
0x60: {  	_ =	shalt  }
0x61: {  	_ =	shalt  }
0x62: {  	_ =	shalt  }
0x63: {  	_ =	shalt  }
0x64: {  	_ =	shalt  }
0x65: {  	_ =	shalt  }
0x66: {  	_ =	shalt  }
0x67: {  	_ =	shalt  }
0x68: {  	_ =	shalt  }
0x69: {  	_ =	shalt  }
0x6a: {  	_ =	shalt  }
0x6b: {  	_ =	shalt  }
0x6c: {  	_ =	shalt  }
0x6d: {  	_ =	shalt  }
0x6e: {  	_ =	shalt  }
0x6f: {  	_ =	shalt  }
0x70: {  	_ =	shalt  }
0x71: {  	_ =	shalt  }
0x72: {  	_ =	shalt  }
0x73: {  	_ =	shalt  }
0x74: {  	_ =	shalt  }
0x75: {  	_ =	shalt  }
0x76: {  	_ =	shalt  }
0x77: {  	_ =	shalt  }
0x78: {  	_ =	shalt  }
0x79: {  	_ =	shalt  }
0x7a: {  	_ =	shalt  }
0x7b: {  	_ =	shalt  }
0x7c: {  	_ =	shalt  }
0x7d: {  	_ =	shalt  }
0x7e: {  	_ =	shalt  }
0x7f: {  	_ =	shalt  }
0x80: {  	_ =	shalt  }
0x81: {  	_ =	shalt  }
0x82: {  	_ =	shalt  }
0x83: {  	_ =	shalt  }
0x84: {  	_ =	shalt  }
0x85: {  	_ =	shalt  }
0x86: {  	_ =	shalt  }
0x87: {  	_ =	shalt  }
.Lfunc_end0:
.L_simem_size_0:
called_computation_lowered:
.L_overlay_start_0:
0x88: {  	s2 =	sld [smem:$0x3FD9]  }
0x89: {  	s3 =	sld [smem:$0x3FFE];
	_ =	sdelay $0x1  }
0x8a: {  	s1 =	srdreg.scid  }
0x8b: {  	s0 =	sand.u32 $0x1, s1  }
0x8c: {  	s14 =	sshll.u32 s0, $0xA;
	s2 =	sadd.s32 s3, s2  }
0x8d: {  	s2 =	sadd.s32 s2, s14  }
0x8e: {  	[smem:$0x3FC6] =	sst s2  }
0x8f: {  	_ = 	snop  }
0x90: {  	s2 =	sld [smem:$0x3FD0];
	_ =	sdelay $0x2  }
0x91: {  	s15 =	simm.s32 $0xA;
	s4 =	simm.s32 $0x10  }
0x92: {  	[smem:s4], [sflag:s15] =	dma.local [hbm:s2], $0x1  }
0x93: {  	_ =	swait.eq [sflag:s15], $0x1  }
0x94: {  	[sflag:s15] =	ssyncset.done $0x0  }
0x95: {  	[sflag:s15] =	ssyncadd.s32 $0xFFFFFFFF  }
0x96: {  	s16 =	sld [smem:$0x11];
	(tm) =	ssettm $0x1  }
0x97: {  	s17 =	sld [smem:$0x3FFB];
	_ =	sdelay $0x3  }
0x98: {  	_ =	strace s17  }
0x99: {  	s3 =	sld [smem:$0x3FFC];
	_ =	sdelay $0x3  }
0x9a: {  	_ =	strace s3  }
0x9b: {  	s3 =	sld [smem:$0x3FFD];
	_ =	sdelay $0x3  }
0x9c: {  	_ =	strace s3  }
0x9d: {  	_ =	strace $0x8FFFFFFF  }
0x9e: {  	s18 =	sld [smem:$0x3FDB];
	_ =	sdelay $0x1  }
0x9f: {  	s19 =	simm.s32 $_scs_section_size  }
0xa0: {  	s5 =	simm.s32 $_size__tile_overlayer_lowered;
	s6 =	simm.s32 $_tile_overlayer_lowered  }
0xa1: {  	s22 =	simm.s32 $0x1BFF;
	s21 =	sshll.u32 s6, $0x1;
	s3 =	sadd.s32 s19, s18  }
0xa2: {  	s7 =	simm.s32 $0x0;
	s20 =	sshll.u32 s5, $0x1;
	s5 =	sadd.s32 s21, s3  }
0xa3: {  	[timem:s7], [sflag:s22] =	dma.local [hbm:s5], s20  }
0xa4: {  	_ =	swait.ge [sflag:s22], s20  }
0xa5: {  	s4 =	ssub.s32 $0x0, s20;
	[sflag:s22] =	ssyncset.done $0x0  }
0xa6: {  	[sflag:s22] =	ssyncadd.s32 s4;
	_ =	sdelay $0x1  }
0xa7: {  	s23 =	simm.s32 $0x1B8B  }
0xa8: {  	_ =	swait.ge [sflag:s23], $0x1  }
0xa9: {  	[sflag:s23] =	ssyncset.done $0x0  }
0xaa: {  	s25 =	simm.s32 $0x1B8E;
	s24 =	sld [smem:$0x3FFE];
	[sflag:s23] =	ssyncadd.s32 $0xFFFFFFFF  }
0xab: {  	s26 =	simm.s32 $execute0_lowered;
	[smem:$0x3FD2] =	sst s25  }
0xac: {  	s5 =	sshll.u32 s26, $0x1;
	_ =	strace $0x80000046;
	[dreg:$0x1] =	wrdreg $0xFFFFFFFF  }
0xad: {  	s28 =	simm.s32 $_size_execute0_lowered;
	s3 =	sadd.s32 s3, s5;
	[dreg:$0x0] =	wrdreg $0x0  }
0xae: {  	s5 =	sshll.u32 s28, $0x1;
	[dreg:$0x2] =	wrdreg s3  }
0xaf: {  	[dreg:$0x3] =	wrdreg s5  }
0xb0: {  	[dreg:$0x4] =	wrdreg $0xC0  }
0xb1: {  	_ =	task [dreg:s7], $0x5FFFF  }
0xb2: {  	[dreg:$0x1] =	wrdreg $0xFFFFFFFF  }
0xb3: {  	[dreg:$0x0] =	wrdreg $0x60  }
0xb4: {  	[dreg:$0x2] =	wrdreg s16  }
0xb5: {  	[dreg:$0x3] =	wrdreg s24  }
0xb6: {  	[dreg:$0x4] =	wrdreg $0x2C000  }
0xb7: {  	[dreg:$0x5] =	wrdreg $0x9  }
0xb8: {  	_ =	task.clear_ibuf [dreg:s7], $0x6FFFF;
	_ =	strace $0x90000046  }
0xb9: {  	s29 =	simm.s32 $0x9;
	_ =	strace $0x80000048  }
0xba: {  	_ =	swait.ge [sflag:s29], $0x1  }
0xbb: {  	[sflag:s29] =	ssyncadd.s32 $0xFFFFFFFF  }
0xbc: {  	_ =	strace $0x90000048  }
0xbd: {  	_ =	sfence  }
0xbe: {  	s30 =	sld [smem:$0x0];
	_ =	sdelay $0x2  }
0xbf: {  	s31 =	sshll.u32 s1, $0xD;
	s1 =	sshrl.u32 s1, $0x2  }
0xc0: {  	s3 =	sand.u32 $0x4000, s31;
	s1 =	sadd.s32 s1, s30  }
0xc1: {  	s0 =	sor.u32 s3, s0;
	s1 =	sshll.u32 s1, $0x11  }
0xc2: {  	s0 =	sor.u32 s1, s0  }
0xc3: {  	s0 =	sadd.s32 $0x8F2B, s0  }
0xc4: {  	[sflag:s0] =	ssyncadd.remote.s32 $0x1  }
0xc5: {  	_ =	sfence.sel $0xFFFF  }
0xc6: {  	[dreg:$0x0] =	wrdreg $0xFFFFFFFF;
	(pc) =	sbr.abs _section_cstart, $3  }
0xc7: {  	[dreg:$0x1] =	wrdreg $0xFFFFFFFF  }
0xc8: {  	_ =	task.clear_ibuf [dreg:s7], $0x2FFFF;
	_ =	strace $0x9FFFFFFF  }
0xc9: {  	(tm) =	ssettm $0x7FFFFFFF  }
tec
execute0_lowered:
.L_overlay_start_1:
0x0: {  	(tag) =	ssettag $0x1  }
0x1: {  	s4 =	rddreg [dreg:$0x0]  }
0x2: {  	s5 =	rddreg [dreg:$0x1]  }
0x3: {  	s1 =	rddreg [dreg:$0x2]  }
0x4: {  	s0 =	rddreg [dreg:$0x3]  }
0x5: {  	s2 =	simm.s32 $0x0;
	s3 =	srdreg.scid;
	s10 =	stileid.u32  }
0x6: {  	s11 =	simm.s32 $0x400;
	s12 =	simm.s32 $0x2800;
	s13 =	simm.s32 $0x2A00  }
0x7: {  	s14 =	simm.s32 $0x100;
	s15 =	simm.s32 $0x0;
	[smem:$0x7FF] =	sst s2  }
0x8: {  	s6 =	sand.u32 $0x1, s3;
	s3 =	sadd.s32 $0x400, s5;
	s29 =	sshll.u32 s10, $0x9  }
0x9: {  	s9 =	sshll.u32 s10, $0x7;
	p0 =	sne.s32 s10, $0x0;
	s10 =	simm.s32 $0x80  }
0xa: {  	_ =	strace $0x80000047;
	s7 =	sshll.u32 s6, $0x4;
	s8 =	ssub.s32 $0x2, s6  }
.Ltmp0:
0xb: {  	s6 =	sshll.u32 s6, $0x8;
	s30 =	sand.u32 $0x1000, s29;
	(pc) =	sbr.rel .LBB2_1-.Ltmp0, $4  }
0xc: {  	s31 =	sand.u32 $0x380, s9;
	s9 =	simm.s32 $0x1;
	s7 =	sadd.s32 s7, s5  }
0xd: {  	s28 =	sshrl.u32 s8, $0x1;
	s4 =	sadd.s32 s4, s6;
	s6 =	sadd.s32 s30, s1  }
0xe: {  	v0 =	vlaneseq.u32;
	s8 =	ssub.s32 s8, s28;
	s4 =	sadd.s32 s29, s4;
	s5 =	sadd.s32 s31, s6  }
0xf: {  	v1 =	vimm.f32 $1.000000000e+00;
	v0 =	vmul.u32 $0x200, v0;
	s6 =	sadd.s32 $0x800, s7;
	s7 =	smax.u32 s8, $0x1;
	s8 =	simm.s32 $0x800  }
.LBB2_11:
0x10: {  	s15 =	sadd.s32 $0x1, s15  }
0x11: {  	p1 =	sne.s32 s15, s7  }
.Ltmp1:
0x12: {  	_ = 	snop;
	(pc) =	sbr.rel @!p1 .LBB2_12-.Ltmp1, $1  }
0x13: {  	_ =	sdelay $0x3  }
.LBB2_1:
0x14: {  	[tilespmem:s8], [sflag:$0x1] =	stream.linear.gather [hbm4b:s3+s2], $0x2000, $0x38;
	[tilespmem:$0x2E00] =	vst v63  }
0x15: {  	_ =	swait.ge [sflag:s9], $0x2000  }
0x16: {  	[sflag:s9] =	ssyncset.done $0x0  }
0x17: {  	[sflag:s9] =	ssyncadd.s32 $0xFFFFE000  }
0x18: {  	[tilespmem:s2], [sflag:$0x1] =	stream.linear.gather [hbm4b:s4+s2], $0x800, $0x38;
	[tilespmem:$0x2E00] =	vst v63  }
0x19: {  	_ =	swait.ge [sflag:s9], $0x800  }
0x1a: {  	[sflag:s9] =	ssyncset.done $0x0  }
0x1b: {  	s16 =	simm.s32 $0x0;
	[sflag:s9] =	ssyncadd.s32 $0xFFFFF800  }
.LBB2_2:
0x1c: {  	s17 =	sshra.s32 s16, $0x2  }
0x1d: {  	v2 =	vld [tilespmem:s17+$0x0];
	_ =	sdelay $0x4  }
0x1e: {  	p1 =	sne.s32 s16, $0x1FC0;
	v2 =	vadd.s32 v0, v2  }
.Ltmp2:
0x1f: {  	_ = 	snop;
	(pc) =	sbr.rel @p1 .LBB2_2-.Ltmp2, $3  }
0x20: {  	_ =	sdelay $0x1  }
0x21: {  	s17 =	simm.s32 $0x800  }
0x22: {  	s16 =	sadd.s32 $0x40, s16;
	[tilespmem:v2+s17+$0x0] =	vst.idx.add.f32.msk $0xffff, v1  }
0x23: {  	s16 =	simm.s32 $0x0  }
0x24: {  	v3 =	vld [tilespmem:s17+$0x0];
	s16 =	sand.u32 $0x1F0, s16  }
0x25: {  	v2 =	vld [tilespmem:s16+$0xA00];
	_ =	sdelay $0x1  }
0x26: {  	v4 =	vld [tilespmem:s16+$0xC00];
	_ =	sdelay $0x1  }
0x27: {  	v5 =	vld [tilespmem:s16+$0xE00]  }
0x28: {  	v2 =	vadd.f32 v2, v3  }
0x29: {  	v3 =	vld [tilespmem:s16+$0x1000]  }
0x2a: {  	v2 =	vadd.f32 v4, v2  }
0x2b: {  	v56 =	vld [tilespmem:s16+$0x1200]  }
0x2c: {  	v2 =	vadd.f32 v5, v2  }
0x2d: {  	v57 =	vld [tilespmem:s16+$0x1400]  }
0x2e: {  	v2 =	vadd.f32 v3, v2  }
0x2f: {  	v3 =	vld [tilespmem:s16+$0x1600]  }
0x30: {  	v2 =	vadd.f32 v56, v2  }
0x31: {  	v58 =	vld [tilespmem:s16+$0x1800]  }
0x32: {  	v2 =	vadd.f32 v57, v2  }
0x33: {  	v59 =	vld [tilespmem:s16+$0x1A00]  }
0x34: {  	v2 =	vadd.f32 v3, v2  }
0x35: {  	v3 =	vld [tilespmem:s16+$0x1C00]  }
0x36: {  	v2 =	vadd.f32 v58, v2  }
0x37: {  	v60 =	vld [tilespmem:s16+$0x1E00]  }
0x38: {  	v2 =	vadd.f32 v59, v2  }
0x39: {  	v61 =	vld [tilespmem:s16+$0x2000]  }
0x3a: {  	v2 =	vadd.f32 v3, v2  }
0x3b: {  	v3 =	vld [tilespmem:s16+$0x2200]  }
0x3c: {  	v2 =	vadd.f32 v60, v2  }
0x3d: {  	v62 =	vld [tilespmem:s16+$0x2400]  }
0x3e: {  	v2 =	vadd.f32 v61, v2  }
0x3f: {  	v63 =	vld [tilespmem:s16+$0x2600]  }
0x40: {  	v2 =	vadd.f32 v3, v2;
	_ =	sdelay $0x1  }
0x41: {  	v2 =	vadd.f32 v62, v2;
	_ =	sdelay $0x1  }
0x42: {  	v2 =	vadd.f32 v63, v2  }
0x43: {  	s31 =	simm.s32 $0x10;
	s16 =	simm.s32 $0x2800  }
0x44: {  	s17 =	sand.u32 $0x1F0, s31;
	[tilespmem:s16+$0x0] =	vst v2  }
0x45: {  	s19 =	simm.s32 $0x20;
	s18 =	simm.s32 $0x810;
	v2 =	vld [tilespmem:s17+$0xA00]  }
.LBB2_4:
0x46: {  	p1 =	sne.s32 s19, $0x1F0;
	v3 =	vld [tilespmem:s18+$0x0];
	_ =	sdelay $0x1  }
0x47: {  	v4 =	vld [tilespmem:s17+$0xC00];
	_ =	sdelay $0x1  }
0x48: {  	v5 =	vld [tilespmem:s17+$0xE00]  }
0x49: {  	v2 =	vadd.f32 v2, v3  }
0x4a: {  	v3 =	vld [tilespmem:s17+$0x1000]  }
0x4b: {  	v2 =	vadd.f32 v4, v2  }
0x4c: {  	v4 =	vld [tilespmem:s17+$0x1200]  }
0x4d: {  	v2 =	vadd.f32 v5, v2  }
0x4e: {  	v5 =	vld [tilespmem:s17+$0x1400]  }
0x4f: {  	v2 =	vadd.f32 v3, v2  }
0x50: {  	v3 =	vld [tilespmem:s17+$0x1600]  }
0x51: {  	v2 =	vadd.f32 v4, v2  }
0x52: {  	v4 =	vld [tilespmem:s17+$0x1800]  }
0x53: {  	v2 =	vadd.f32 v5, v2  }
0x54: {  	v5 =	vld [tilespmem:s17+$0x1A00]  }
0x55: {  	v2 =	vadd.f32 v3, v2  }
0x56: {  	v3 =	vld [tilespmem:s17+$0x1C00]  }
0x57: {  	v2 =	vadd.f32 v4, v2  }
0x58: {  	v4 =	vld [tilespmem:s17+$0x1E00]  }
0x59: {  	v2 =	vadd.f32 v5, v2  }
0x5a: {  	v5 =	vld [tilespmem:s17+$0x2000]  }
0x5b: {  	v2 =	vadd.f32 v3, v2  }
0x5c: {  	v3 =	vld [tilespmem:s17+$0x2200]  }
0x5d: {  	v2 =	vadd.f32 v4, v2  }
0x5e: {  	v4 =	vld [tilespmem:s17+$0x2400]  }
0x5f: {  	v2 =	vadd.f32 v5, v2  }
0x60: {  	v5 =	vld [tilespmem:s17+$0x2600]  }
0x61: {  	v2 =	vadd.f32 v3, v2;
	_ =	sdelay $0x1  }
0x62: {  	v2 =	vadd.f32 v4, v2  }
.Ltmp3:
0x63: {  	(pc) =	sbr.rel @p1 .LBB2_4-.Ltmp3, $4  }
0x64: {  	v2 =	vadd.f32 v5, v2  }
0x65: {  	s16 =	sadd.s32 $0x10, s16  }
0x66: {  	s17 =	sand.u32 $0x1F0, s19;
	[tilespmem:s16+$0x0] =	vst v2  }
0x67: {  	s18 =	sadd.s32 $0x10, s18;
	s19 =	sadd.s32 $0x10, s19;
	v2 =	vld [tilespmem:s17+$0xA00]  }
0x68: {  	v3 =	vld [tilespmem:s18+$0x0];
	_ =	sdelay $0x1  }
0x69: {  	v4 =	vld [tilespmem:s17+$0xC00];
	_ =	sdelay $0x1  }
0x6a: {  	v5 =	vld [tilespmem:s17+$0xE00]  }
0x6b: {  	v2 =	vadd.f32 v2, v3  }
0x6c: {  	v3 =	vld [tilespmem:s17+$0x1000]  }
0x6d: {  	v2 =	vadd.f32 v4, v2  }
0x6e: {  	v56 =	vld [tilespmem:s17+$0x1200]  }
0x6f: {  	v2 =	vadd.f32 v5, v2  }
0x70: {  	v57 =	vld [tilespmem:s17+$0x1400]  }
0x71: {  	v2 =	vadd.f32 v3, v2  }
0x72: {  	v3 =	vld [tilespmem:s17+$0x1600]  }
0x73: {  	v2 =	vadd.f32 v56, v2  }
0x74: {  	v58 =	vld [tilespmem:s17+$0x1800]  }
0x75: {  	v2 =	vadd.f32 v57, v2  }
0x76: {  	v59 =	vld [tilespmem:s17+$0x1A00]  }
0x77: {  	v2 =	vadd.f32 v3, v2  }
0x78: {  	v3 =	vld [tilespmem:s17+$0x1C00]  }
0x79: {  	v2 =	vadd.f32 v58, v2  }
0x7a: {  	v60 =	vld [tilespmem:s17+$0x1E00]  }
0x7b: {  	v2 =	vadd.f32 v59, v2  }
0x7c: {  	v61 =	vld [tilespmem:s17+$0x2000]  }
0x7d: {  	v2 =	vadd.f32 v3, v2  }
0x7e: {  	v3 =	vld [tilespmem:s17+$0x2200]  }
0x7f: {  	v2 =	vadd.f32 v60, v2  }
0x80: {  	v62 =	vld [tilespmem:s17+$0x2400]  }
0x81: {  	v2 =	vadd.f32 v61, v2  }
0x82: {  	v63 =	vld [tilespmem:s17+$0x2600]  }
0x83: {  	v2 =	vadd.f32 v3, v2;
	_ =	sdelay $0x1  }
0x84: {  	v2 =	vadd.f32 v62, v2;
	_ =	sdelay $0x1  }
0x85: {  	v2 =	vadd.f32 v63, v2  }
0x86: {  	s16 =	sadd.s32 $0x10, s16  }
0x87: {  	[tilespmem:s16+$0x0] =	vst v2  }
0x88: {  	[spmem:s5] =	stream.strided.scatter [tilespmem:s12], [sflag:$0x1], $0x200, s11, s10, $0x38;
	[tilespmem:$0x2E00] =	vst v63  }
.Ltmp4:
0x89: {  	_ =	swait.ge [sflag:s9], $0x200;
	(pc) =	sbr.rel @p0 .LBB2_11-.Ltmp4, $3  }
0x8a: {  	[sflag:s9] =	ssyncset.done $0x0  }
0x8b: {  	[sflag:s9] =	ssyncadd.s32 $0xFFFFFE00  }
0x8c: {  	[bflag:$0x0] =	sbarrier.arrive $0xFFFF;
	_ =	sdelay $0x1  }
0x8d: {  	[tilespmem:s12], [sflag:$0x1] =	stream.strided.gather [spmem:s1], $0x200, s11, s10, $0x38;
	[tilespmem:$0x2E00] =	vst v63  }
0x8e: {  	s16 =	simm.s32 $0x1  }
0x8f: {  	_ =	swait.ge [sflag:s16], $0x200  }
0x90: {  	[sflag:s16] =	ssyncset.done $0x0  }
0x91: {  	[sflag:s16] =	ssyncadd.s32 $0xFFFFFE00  }
.LBB2_7:
0x92: {  	s17 =	sshll.u32 s16, $0x9  }
0x93: {  	s18 =	sshll.u32 s16, $0x7;
	s17 =	sand.u32 $0x1000, s17  }
0x94: {  	s18 =	sand.u32 $0x380, s18;
	s17 =	sadd.s32 s17, s1  }
0x95: {  	s17 =	sadd.s32 s18, s17  }
0x96: {  	[tilespmem:s13], [sflag:$0x1] =	stream.strided.gather [spmem:s17], $0x200, s11, s10, $0x38;
	[tilespmem:$0x2E00] =	vst v63  }
0x97: {  	_ =	swait.ge [sflag:s9], $0x200  }
0x98: {  	[sflag:s9] =	ssyncset.done $0x0  }
0x99: {  	s17 =	simm.s32 $0x0;
	[sflag:s9] =	ssyncadd.s32 $0xFFFFFE00  }
0x9a: {  	s18 =	simm.s32 $0x40;
	v2 =	vld [tilespmem:s17+$0x2A00]  }
.LBB2_8:
0x9b: {  	p1 =	sne.s32 s18, $0x7C0;
	v3 =	vld [tilespmem:s17+$0x2800];
	_ =	sdelay $0x2  }
.Ltmp5:
0x9c: {  	(pc) =	sbr.rel @p1 .LBB2_8-.Ltmp5, $4  }
0x9d: {  	_ = 	snop  }
0x9e: {  	v3 =	vadd.f32 v2, v3  }
0x9f: {  	s19 =	sshra.s32 s18, $0x2  }
0xa0: {  	s18 =	sadd.s32 $0x40, s18;
	v2 =	vld [tilespmem:s19+$0x2A00];
	[tilespmem:s17+$0x2800] =	vst v3;
	s17 =	smov.u32 s19  }
0xa1: {  	v3 =	vld [tilespmem:s17+$0x2800]  }
0xa2: {  	s16 =	sadd.s32 $0x1, s16  }
0xa3: {  	p1 =	sne.s32 s16, $0x10  }
.Ltmp6:
0xa4: {  	_ = 	snop;
	(pc) =	sbr.rel @p1 .LBB2_7-.Ltmp6, $3  }
0xa5: {  	_ = 	snop  }
0xa6: {  	v2 =	vadd.f32 v2, v3;
	_ =	sdelay $0x1  }
0xa7: {  	[tilespmem:s17+$0x2800] =	vst v2  }
.Ltmp7:
0xa8: {  	(pc) =	sbr.rel .LBB2_11-.Ltmp7, $4  }
0xa9: {  	[hbm4b:s6+s10] =	stream.strided.scatter [tilespmem:s12], [sflag:$0x1], $0x200, s14, s10, $0x38;
	[tilespmem:$0x2E00] =	vst v63  }
0xaa: {  	_ =	swait.ge [sflag:s9], $0x200  }
0xab: {  	[sflag:s9] =	ssyncset.done $0x0  }
0xac: {  	[sflag:s9] =	ssyncadd.s32 $0xFFFFFE00  }
.LBB2_12:
0xad: {  	_ =	sfence.sel $0x180000  }
0xae: {  	[bflag:$0x0] =	sbarrier.arrive $0xFFFF  }
0xaf: {  	_ =	strace $0x90000047  }
0xb0: {  	s0 =	sadd.s32 @!p0 $0x100000, s0;
	[bflag:$0x2] =	sbarrier.arrive $0xFFFF  }
0xb1: {  	[sflag:s0] =	ssyncadd.tile.s32 @!p0 $0x1;
	_ =	shalt  }
.Lfunc_end2:
_tile_overlayer_lowered:
.L_overlay_start_2:
0xb2: {  	(tag) =	ssettag $0x2  }
0xb3: {  	s0 =	rddreg [dreg:$0x0];
	s2 =	stileid.u32  }
0xb4: {  	s1 =	rddreg [dreg:$0x1];
	p0 =	sne.s32 s2, $0x0  }
0xb5: {  	s3 =	rddreg [dreg:$0x2];
	[bflag:$0x3] =	sbarrier.arrive $0xFFFF;
	s2 =	simm.s32 @!p0 $0x1C01  }
0xb6: {  	[timem:s3], [sflag:s2] =	dma.local @!p0 [hbm:s0], s1  }
0xb7: {  	s0 =	simm.s32 @!p0 $0x1  }
0xb8: {  	_ =	swait.ge @!p0 [sflag:s0], s1  }
0xb9: {  	s1 =	ssub.s32 @!p0 $0x0, s1;
	[sflag:s0] =	ssyncset.done @!p0 $0x0  }
0xba: {  	[sflag:s0] =	ssyncadd.s32 @!p0 s1  }
0xbb: {  	[bflag:$0x3] =	sbarrier.arrive $0xFFFF  }
0xbc: {  	_ =	shalt  }

</sc_bundles>
